<compile_context>
chip_gen: v7x
topology: tpu7x:2x2x1
jax: 0.10.2.dev20260603
libtpu: 0.0.44.dev20260713+nightly
codegen_flags: <defaults>
</compile_context>

<pallas_src>
import functools

import jax
import jax.numpy as jnp
from jax import lax
from jax.experimental import pallas as pl
from jax.experimental.pallas import tpu as pltpu
from jax.experimental.pallas import tpu_sc as plsc

ID_NUM = 100000
BATCH = 16384
DIM = 32

NC = 2
NS = 16
L = 16
NW = NC * NS
CHUNK = 128
NCHUNK = BATCH // CHUNK

DGRP_STRIDE = 6250 * 8 * 128
WINDOW = 6399104


def _paddr_body(exp_ref, id_ref, o_ref):
    p = exp_ref[...] * ID_NUM + id_ref[...]
    o_ref[...] = ((p >> 7) << 10) + (p & 127)


_paddr_call = pl.pallas_call(
    _paddr_body,
    out_shape=jax.ShapeDtypeStruct((CHUNK, CHUNK), jnp.int32),
)


@functools.partial(
    pl.kernel,
    out_type=jax.ShapeDtypeStruct((4, NCHUNK, 8, CHUNK), jnp.float32),
    mesh=plsc.VectorSubcoreMesh(core_axis_name="c", subcore_axis_name="s"),
    scratch_types=[
        pltpu.VMEM((BATCH,), jnp.int32),
        pltpu.VMEM((1, NCHUNK, 1, CHUNK), jnp.float32),
        pltpu.SemaphoreType.DMA,
        pltpu.SemaphoreType.DMA,
        pltpu.SemaphoreType.DMA,
    ],
    compiler_params=pltpu.CompilerParams(use_tc_tiling_on_sc=False),
)
def _gather_kernel(paddr_hbm, flat_hbm, out_hbm, paddr_v, vals_v, sem, sem_a, sem_b):
    d = lax.axis_index("s") * NC + lax.axis_index("c")
    a = d // 8
    j = d - a * 8
    base = a * DGRP_STRIDE + j * CHUNK

    window = flat_hbm.at[pl.ds(base, WINDOW)]
    half = BATCH // 2
    st0 = pltpu.async_copy(paddr_hbm.at[pl.ds(0, half)],
                           paddr_v.at[pl.ds(0, half)], sem_a)
    st1 = pltpu.async_copy(paddr_hbm.at[pl.ds(half, half)],
                           paddr_v.at[pl.ds(half, half)], sem_b)
    st0.wait()

    @pl.loop(0, NCHUNK // 2)
    def _fire0(c):
        pltpu.async_copy(window.at[paddr_v.at[pl.ds(c * CHUNK, CHUNK)]],
                         vals_v.at[0, c, 0, :], sem)

    st1.wait()

    @pl.loop(NCHUNK // 2, NCHUNK)
    def _fire1(c):
        pltpu.async_copy(window.at[paddr_v.at[pl.ds(c * CHUNK, CHUNK)]],
                         vals_v.at[0, c, 0, :], sem)

    drain = pltpu.make_async_copy(
        window.at[paddr_v.at[pl.ds(0, CHUNK)]], vals_v.at[0, 0, 0, :], sem)

    @pl.loop(0, NCHUNK)
    def _drain(c):
        drain.wait()

    pltpu.sync_copy(vals_v,
                    out_hbm.at[pl.ds(a, 1), :, pl.ds(j, 1), :])


def kernel(exp_infor, id_infor, detail_embeddings):
    flat = detail_embeddings.reshape(6250, 128, 4, 8)
    flat = flat.transpose(2, 0, 3, 1).reshape(-1)
    paddr = _paddr_call(exp_infor.reshape(CHUNK, CHUNK),
                        id_infor.reshape(CHUNK, CHUNK)).reshape(-1)
    out4d = _gather_kernel(paddr, flat)
    return out4d.transpose(1, 3, 0, 2).reshape(BATCH, DIM)

# --- scband reference (transcript-rebuilt; emitter-appended) ---
"""Pipeline reference for scband-detail-embeddings-76433237999819 (READ-ONLY COPY).

The authoritative reference and input builder live on the scoring server;
editing this copy changes nothing except your own understanding.
"""

import jax, jax.numpy as jnp
import numpy as np

ID_NUM = 100000
EXP_NUM = 8
DETAIL_DIM = 32
BATCH = 16384
INITIAL_STD = 0.01

def setup_inputs(seed: int = 0) -> dict:
    key = jax.random.key(seed)
    k1, k2, k3 = jax.random.split(key, 3)
    exp_infor = jax.random.randint(k1, (BATCH,), 0, EXP_NUM, dtype=jnp.int64 if jax.config.jax_enable_x64 else jnp.int32).astype(jnp.int32)
    id_infor = jax.random.randint(k2, (BATCH,), 0, ID_NUM, dtype=jnp.int64 if jax.config.jax_enable_x64 else jnp.int32).astype(jnp.int32)
    detail_embeddings = jax.random.normal(k3, (ID_NUM * EXP_NUM, DETAIL_DIM), dtype=jnp.float32) * INITIAL_STD
    return {"exp_infor": exp_infor, "id_infor": id_infor, "detail_embeddings": detail_embeddings}

def reference(exp_infor, id_infor, detail_embeddings):
    # extend=True path: detail_idx = exp_infor * id_num + id_infor
    detail_idx = exp_infor * ID_NUM + id_infor
    detail_code = jnp.take(detail_embeddings, detail_idx, axis=0)
    return detail_code

if __name__ == "__main__":
    import jax
    _d = setup_inputs()
    print(jax.jit(kernel)(*tuple(_d.values())))

</pallas_src>

<mosaic_0001>
#map = affine_map<(d0, d1) -> (0)>
#map1 = affine_map<(d0, d1) -> (0, 0, 0, 0)>
module attributes {stable_mosaic.version = 14 : i64} {
  func.func @_gather_kernel(%arg0: i32, %arg1: i32, %arg2: memref<16384xi32, #tpu.memory_space<hbm>>, %arg3: memref<25600000xf32, #tpu.memory_space<hbm>>, %arg4: memref<4x128x8x128xf32, #tpu.memory_space<hbm>>, %arg5: memref<16384xi32, #tpu.memory_space<vmem>>, %arg6: memref<1x128x1x128xf32, #tpu.memory_space<vmem>>, %arg7: memref<!tpu.dma_semaphore, #tpu.memory_space<semaphore_mem>>, %arg8: memref<!tpu.dma_semaphore, #tpu.memory_space<semaphore_mem>>, %arg9: memref<!tpu.dma_semaphore, #tpu.memory_space<semaphore_mem>>) attributes {dimension_semantics = [#tpu.dimension_semantics<core_parallel>, #tpu.dimension_semantics<subcore_parallel>], iteration_bounds = array<i64: 2, 16>, scalar_prefetch = 0 : i64, scratch_operands = 5 : i64, tpu.core_type = #tpu.core_type<sc_vector_subcore>, window_params = [{transform_indices = #map}, {transform_indices = #map}, {transform_indices = #map1}]} {
    %mul3A = arith.constant 2 : i32
    %mul3A_0 = arith.muli %arg1, %mul3A : i32
    %add3A = arith.addi %mul3A_0, %arg0 : i32
    %jit3A = arith.constant 8 : i32
    %div3A = arith.divsi %add3A, %jit3A : i32
    %sign3A = arith.constant 0 : i32
    %sign3A_1 = arith.cmpi sgt, %add3A, %sign3A : i32
    %sign3A_2 = arith.extui %sign3A_1 : i1 to i32
    %sign3A_3 = arith.constant 0 : i32
    %sign3A_4 = arith.cmpi slt, %add3A, %sign3A_3 : i32
    %sign3A_5 = arith.extui %sign3A_4 : i1 to i32
    %sign3A_6 = arith.subi %sign3A_2, %sign3A_5 : i32
    %sign3A_7 = arith.constant 0 : i32
    %sign3A_8 = arith.cmpi sgt, %jit3A, %sign3A_7 : i32
    %sign3A_9 = arith.extui %sign3A_8 : i1 to i32
    %sign3A_10 = arith.constant 0 : i32
    %sign3A_11 = arith.cmpi slt, %jit3A, %sign3A_10 : i32
    %sign3A_12 = arith.extui %sign3A_11 : i1 to i32
    %sign3A_13 = arith.subi %sign3A_9, %sign3A_12 : i32
    %ne3A = arith.cmpi ne, %sign3A_6, %sign3A_13 : i32
    %rem3A = arith.remsi %add3A, %jit3A : i32
    %ne3A_14 = arith.constant 0 : i32
    %ne3A_15 = arith.cmpi ne, %rem3A, %ne3A_14 : i32
    %and3A = arith.andi %ne3A, %ne3A_15 : i1
    %sub3A = arith.constant 1 : i32
    %sub3A_16 = arith.subi %div3A, %sub3A : i32
    %select_n3A = arith.select %and3A, %sub3A_16, %div3A : i32
    %mul3A_17 = arith.constant 8 : i32
    %mul3A_18 = arith.muli %select_n3A, %mul3A_17 : i32
    %sub3A_19 = arith.subi %add3A, %mul3A_18 : i32
    %mul3A_20 = arith.constant 6400000 : i32
    %mul3A_21 = arith.muli %select_n3A, %mul3A_20 : i32
    %mul3A_22 = arith.constant 128 : i32
    %mul3A_23 = arith.muli %sub3A_19, %mul3A_22 : i32
    %add3A_24 = arith.addi %mul3A_21, %mul3A_23 : i32
    %dma_start3A = arith.constant 0 : i32
    %dma_start3A_25 = tpu.memref_slice %arg5[%dma_start3A] : memref<16384xi32, #tpu.memory_space<vmem>> -> memref<8192xi32, #tpu.memory_space<vmem>>
    %dma_start3A_26 = arith.constant 0 : i32
    %dma_start3A_27 = tpu.memref_slice %arg2[%dma_start3A_26] : memref<16384xi32, #tpu.memory_space<hbm>> -> memref<8192xi32, #tpu.memory_space<hbm>>
    %dma_start3A_28 = arith.constant 0 : i32
    %dma_start3A_29 = tpu.memref_slice %arg5[%dma_start3A_28] : memref<16384xi32, #tpu.memory_space<vmem>> -> memref<8192xi32, #tpu.memory_space<vmem>>
    %dma_start3A_30 = arith.constant 0 : i32
    %dma_start3A_31 = tpu.memref_slice %arg2[%dma_start3A_30] : memref<16384xi32, #tpu.memory_space<hbm>> -> memref<8192xi32, #tpu.memory_space<hbm>>
    tpu.enqueue_dma source(%dma_start3A_31 : memref<8192xi32, #tpu.memory_space<hbm>>) target(%dma_start3A_29 : memref<8192xi32, #tpu.memory_space<vmem>>) target_semaphore(%arg8 : memref<!tpu.dma_semaphore, #tpu.memory_space<semaphore_mem>>)
    %dma_start3A_32 = arith.constant 8192 : i32
    %dma_start3A_33 = tpu.memref_slice %arg5[%dma_start3A_32] : memref<16384xi32, #tpu.memory_space<vmem>> -> memref<8192xi32, #tpu.memory_space<vmem>>
    %dma_start3A_34 = arith.constant 8192 : i32
    %dma_start3A_35 = tpu.memref_slice %arg2[%dma_start3A_34] : memref<16384xi32, #tpu.memory_space<hbm>> -> memref<8192xi32, #tpu.memory_space<hbm>>
    %dma_start3A_36 = arith.constant 8192 : i32
    %dma_start3A_37 = tpu.memref_slice %arg5[%dma_start3A_36] : memref<16384xi32, #tpu.memory_space<vmem>> -> memref<8192xi32, #tpu.memory_space<vmem>>
    %dma_start3A_38 = arith.constant 8192 : i32
    %dma_start3A_39 = tpu.memref_slice %arg2[%dma_start3A_38] : memref<16384xi32, #tpu.memory_space<hbm>> -> memref<8192xi32, #tpu.memory_space<hbm>>
    tpu.enqueue_dma source(%dma_start3A_39 : memref<8192xi32, #tpu.memory_space<hbm>>) target(%dma_start3A_37 : memref<8192xi32, #tpu.memory_space<vmem>>) target_semaphore(%arg9 : memref<!tpu.dma_semaphore, #tpu.memory_space<semaphore_mem>>)
    %dma_wait3A = arith.constant 0 : i32
    %dma_wait3A_40 = tpu.memref_slice %arg5[%dma_wait3A] : memref<16384xi32, #tpu.memory_space<vmem>> -> memref<8192xi32, #tpu.memory_space<vmem>>
    %dma_wait3A_41 = arith.constant 0 : i32
    %dma_wait3A_42 = tpu.memref_slice %arg2[%dma_wait3A_41] : memref<16384xi32, #tpu.memory_space<hbm>> -> memref<8192xi32, #tpu.memory_space<hbm>>
    %dma_wait3A_43 = arith.constant 0 : i32
    %dma_wait3A_44 = tpu.memref_slice %arg5[%dma_wait3A_43] : memref<16384xi32, #tpu.memory_space<vmem>> -> memref<8192xi32, #tpu.memory_space<vmem>>
    %dma_wait3A_45 = arith.constant 0 : i32
    %dma_wait3A_46 = tpu.memref_slice %arg2[%dma_wait3A_45] : memref<16384xi32, #tpu.memory_space<hbm>> -> memref<8192xi32, #tpu.memory_space<hbm>>
    tpu.wait_dma2 semaphore(%arg8 : memref<!tpu.dma_semaphore, #tpu.memory_space<semaphore_mem>>) src(%dma_wait3A_46 : memref<8192xi32, #tpu.memory_space<hbm>>) dst(%dma_wait3A_44 : memref<8192xi32, #tpu.memory_space<vmem>>)
    %scan3A = arith.constant 0 : i32
    %scan3A_47 = arith.constant 64 : i32
    %scan3A_48 = arith.addi %scan3A, %scan3A_47 : i32
    %scan3A_49 = arith.constant 1 : i32
    scf.for %scan3A_72 = %scan3A to %scan3A_48 step %scan3A_49  : i32 {
      %mul3A_73 = arith.constant 1 : i32
      %mul3A_74 = arith.muli %scan3A_72, %mul3A_73 : i32
      %add3A_75 = arith.constant 0 : i32
      %add3A_76 = arith.addi %add3A_75, %mul3A_74 : i32
      %mul3A_77 = arith.constant 128 : i32
      %mul3A_78 = arith.muli %add3A_76, %mul3A_77 : i32
      %dma_start3A_79 = arith.constant 0 : i32
      %dma_start3A_80 = arith.constant 0 : i32
      %dma_start3A_81 = arith.constant 0 : i32
      %dma_start3A_82 = tpu.memref_slice %arg6[%dma_start3A_79, %add3A_76, %dma_start3A_80, %dma_start3A_81] : memref<1x128x1x128xf32, #tpu.memory_space<vmem>> -> memref<1x1x1x128xf32, #tpu.memory_space<vmem>>
      %dma_start3A_83 = tpu.memref_squeeze %dma_start3A_82 : memref<1x1x1x128xf32, #tpu.memory_space<vmem>> -> memref<128xf32, #tpu.memory_space<vmem>>
      %dma_start3A_84 = tpu.memref_slice %arg5[%mul3A_78] : memref<16384xi32, #tpu.memory_space<vmem>> -> memref<128xi32, #tpu.memory_space<vmem>>
      %dma_start3A_85 = tpu.memref_slice %arg3[%add3A_24] : memref<25600000xf32, #tpu.memory_space<hbm>> -> memref<6399104xf32, #tpu.memory_space<hbm>>
      %dma_start3A_86 = arith.constant 0 : i32
      %dma_start3A_87 = tpu.memref_slice %dma_start3A_85[%dma_start3A_86] : memref<6399104xf32, #tpu.memory_space<hbm>> -> memref<6399104xf32, #tpu.memory_space<hbm>>
      tpu.enqueue_indirect_dma source(%dma_start3A_87 : memref<6399104xf32, #tpu.memory_space<hbm>>) target(%dma_start3A_83 : memref<128xf32, #tpu.memory_space<vmem>>) offsets(%dma_start3A_84 : memref<128xi32, #tpu.memory_space<vmem>>) semaphore(%arg7 : memref<!tpu.dma_semaphore, #tpu.memory_space<semaphore_mem>>)
    }
    %scan3A_50 = arith.constant 64 : i32
    %dma_wait3A_51 = arith.constant 8192 : i32
    %dma_wait3A_52 = tpu.memref_slice %arg5[%dma_wait3A_51] : memref<16384xi32, #tpu.memory_space<vmem>> -> memref<8192xi32, #tpu.memory_space<vmem>>
    %dma_wait3A_53 = arith.constant 8192 : i32
    %dma_wait3A_54 = tpu.memref_slice %arg2[%dma_wait3A_53] : memref<16384xi32, #tpu.memory_space<hbm>> -> memref<8192xi32, #tpu.memory_space<hbm>>
    %dma_wait3A_55 = arith.constant 8192 : i32
    %dma_wait3A_56 = tpu.memref_slice %arg5[%dma_wait3A_55] : memref<16384xi32, #tpu.memory_space<vmem>> -> memref<8192xi32, #tpu.memory_space<vmem>>
    %dma_wait3A_57 = arith.constant 8192 : i32
    %dma_wait3A_58 = tpu.memref_slice %arg2[%dma_wait3A_57] : memref<16384xi32, #tpu.memory_space<hbm>> -> memref<8192xi32, #tpu.memory_space<hbm>>
    tpu.wait_dma2 semaphore(%arg9 : memref<!tpu.dma_semaphore, #tpu.memory_space<semaphore_mem>>) src(%dma_wait3A_58 : memref<8192xi32, #tpu.memory_space<hbm>>) dst(%dma_wait3A_56 : memref<8192xi32, #tpu.memory_space<vmem>>)
    %scan3A_59 = arith.constant 0 : i32
    %scan3A_60 = arith.constant 64 : i32
    %scan3A_61 = arith.addi %scan3A_59, %scan3A_60 : i32
    %scan3A_62 = arith.constant 1 : i32
    scf.for %scan3A_72 = %scan3A_59 to %scan3A_61 step %scan3A_62  : i32 {
      %mul3A_73 = arith.constant 1 : i32
      %mul3A_74 = arith.muli %scan3A_72, %mul3A_73 : i32
      %add3A_75 = arith.constant 64 : i32
      %add3A_76 = arith.addi %add3A_75, %mul3A_74 : i32
      %mul3A_77 = arith.constant 128 : i32
      %mul3A_78 = arith.muli %add3A_76, %mul3A_77 : i32
      %dma_start3A_79 = arith.constant 0 : i32
      %dma_start3A_80 = arith.constant 0 : i32
      %dma_start3A_81 = arith.constant 0 : i32
      %dma_start3A_82 = tpu.memref_slice %arg6[%dma_start3A_79, %add3A_76, %dma_start3A_80, %dma_start3A_81] : memref<1x128x1x128xf32, #tpu.memory_space<vmem>> -> memref<1x1x1x128xf32, #tpu.memory_space<vmem>>
      %dma_start3A_83 = tpu.memref_squeeze %dma_start3A_82 : memref<1x1x1x128xf32, #tpu.memory_space<vmem>> -> memref<128xf32, #tpu.memory_space<vmem>>
      %dma_start3A_84 = tpu.memref_slice %arg5[%mul3A_78] : memref<16384xi32, #tpu.memory_space<vmem>> -> memref<128xi32, #tpu.memory_space<vmem>>
      %dma_start3A_85 = tpu.memref_slice %arg3[%add3A_24] : memref<25600000xf32, #tpu.memory_space<hbm>> -> memref<6399104xf32, #tpu.memory_space<hbm>>
      %dma_start3A_86 = arith.constant 0 : i32
      %dma_start3A_87 = tpu.memref_slice %dma_start3A_85[%dma_start3A_86] : memref<6399104xf32, #tpu.memory_space<hbm>> -> memref<6399104xf32, #tpu.memory_space<hbm>>
      tpu.enqueue_indirect_dma source(%dma_start3A_87 : memref<6399104xf32, #tpu.memory_space<hbm>>) target(%dma_start3A_83 : memref<128xf32, #tpu.memory_space<vmem>>) offsets(%dma_start3A_84 : memref<128xi32, #tpu.memory_space<vmem>>) semaphore(%arg7 : memref<!tpu.dma_semaphore, #tpu.memory_space<semaphore_mem>>)
    }
    %scan3A_63 = arith.constant 64 : i32
    %scan3A_64 = arith.constant 0 : i32
    %scan3A_65 = arith.constant 0 : i32
    %scan3A_66 = arith.constant 0 : i32
    %scan3A_67 = arith.constant 0 : i32
    %scan3A_68 = arith.constant 128 : i32
    %scan3A_69 = arith.addi %scan3A_67, %scan3A_68 : i32
    %scan3A_70 = arith.constant 1 : i32
    scf.for %scan3A_72 = %scan3A_67 to %scan3A_69 step %scan3A_70  : i32 {
      %mul3A_73 = arith.constant 1 : i32
      %mul3A_74 = arith.muli %scan3A_72, %mul3A_73 : i32
      %add3A_75 = arith.constant 0 : i32
      %add3A_76 = arith.addi %add3A_75, %mul3A_74 : i32
      %dma_wait3A_77 = arith.constant 0 : i32
      %dma_wait3A_78 = tpu.memref_slice %arg6[%scan3A_64, %scan3A_65, %scan3A_66, %dma_wait3A_77] : memref<1x128x1x128xf32, #tpu.memory_space<vmem>> -> memref<1x1x1x128xf32, #tpu.memory_space<vmem>>
      %dma_wait3A_79 = tpu.memref_squeeze %dma_wait3A_78 : memref<1x1x1x128xf32, #tpu.memory_space<vmem>> -> memref<128xf32, #tpu.memory_space<vmem>>
      %dma_wait3A_80 = arith.constant 0 : i32
      %dma_wait3A_81 = tpu.memref_slice %arg5[%dma_wait3A_80] : memref<16384xi32, #tpu.memory_space<vmem>> -> memref<128xi32, #tpu.memory_space<vmem>>
      %dma_wait3A_82 = tpu.memref_slice %arg3[%add3A_24] : memref<25600000xf32, #tpu.memory_space<hbm>> -> memref<6399104xf32, #tpu.memory_space<hbm>>
      %dma_wait3A_83 = arith.constant 0 : i32
      %dma_wait3A_84 = tpu.memref_slice %dma_wait3A_82[%dma_wait3A_83] : memref<6399104xf32, #tpu.memory_space<hbm>> -> memref<6399104xf32, #tpu.memory_space<hbm>>
      tpu.wait_indirect_dma semaphore(%arg7 : memref<!tpu.dma_semaphore, #tpu.memory_space<semaphore_mem>>) src(%dma_wait3A_84 : memref<6399104xf32, #tpu.memory_space<hbm>>) dst(%dma_wait3A_79 : memref<128xf32, #tpu.memory_space<vmem>>)
    }
    %scan3A_71 = arith.constant 128 : i32
    "tpu.region"() ({
      %run_scoped3A = tpu.sem_alloc : memref<!tpu.dma_semaphore, #tpu.memory_space<semaphore_mem>>
      %dma_start3A_72 = arith.constant 0 : i32
      %dma_start3A_73 = arith.constant 0 : i32
      %dma_start3A_74 = tpu.memref_slice %arg4[%select_n3A, %dma_start3A_72, %sub3A_19, %dma_start3A_73] : memref<4x128x8x128xf32, #tpu.memory_space<hbm>> -> memref<1x128x1x128xf32, #tpu.memory_space<hbm>>
      %dma_start3A_75 = arith.constant 0 : i32
      %dma_start3A_76 = arith.constant 0 : i32
      %dma_start3A_77 = tpu.memref_slice %arg4[%select_n3A, %dma_start3A_75, %sub3A_19, %dma_start3A_76] : memref<4x128x8x128xf32, #tpu.memory_space<hbm>> -> memref<1x128x1x128xf32, #tpu.memory_space<hbm>>
      tpu.enqueue_dma source(%arg6 : memref<1x128x1x128xf32, #tpu.memory_space<vmem>>) target(%dma_start3A_77 : memref<1x128x1x128xf32, #tpu.memory_space<hbm>>) target_semaphore(%run_scoped3A : memref<!tpu.dma_semaphore, #tpu.memory_space<semaphore_mem>>)
      %dma_wait3A_78 = arith.constant 0 : i32
      %dma_wait3A_79 = arith.constant 0 : i32
      %dma_wait3A_80 = tpu.memref_slice %arg4[%select_n3A, %dma_wait3A_78, %sub3A_19, %dma_wait3A_79] : memref<4x128x8x128xf32, #tpu.memory_space<hbm>> -> memref<1x128x1x128xf32, #tpu.memory_space<hbm>>
      %dma_wait3A_81 = arith.constant 0 : i32
      %dma_wait3A_82 = arith.constant 0 : i32
      %dma_wait3A_83 = tpu.memref_slice %arg4[%select_n3A, %dma_wait3A_81, %sub3A_19, %dma_wait3A_82] : memref<4x128x8x128xf32, #tpu.memory_space<hbm>> -> memref<1x128x1x128xf32, #tpu.memory_space<hbm>>
      tpu.wait_dma2 semaphore(%run_scoped3A : memref<!tpu.dma_semaphore, #tpu.memory_space<semaphore_mem>>) src(%arg6 : memref<1x128x1x128xf32, #tpu.memory_space<vmem>>) dst(%dma_wait3A_83 : memref<1x128x1x128xf32, #tpu.memory_space<hbm>>)
      tpu.yield
    }) : () -> ()
    return
  }
}

module attributes {stable_mosaic.version = 14 : i64} {
  func.func @_paddr_body(%arg0: memref<128x128xi32, #tpu.memory_space<vmem>>, %arg1: memref<128x128xi32, #tpu.memory_space<vmem>>, %arg2: memref<128x128xi32, #tpu.memory_space<vmem>>) attributes {dimension_semantics = [], scalar_prefetch = 0 : i64, scratch_operands = 0 : i64, tpu.core_type = #tpu.core_type<tc>} {
    %get3A = arith.constant 0 : index
    %get3A_0 = arith.constant 0 : index
    %get3A_1 = vector.load %arg0[%get3A, %get3A_0] : memref<128x128xi32, #tpu.memory_space<vmem>>, vector<128x128xi32>
    %mul3A = arith.constant 100000 : i32
    %mul3A_2 = vector.broadcast %mul3A : i32 to vector<128x128xi32>
    %mul3A_3 = arith.muli %get3A_1, %mul3A_2 : vector<128x128xi32>
    %get3A_4 = arith.constant 0 : index
    %get3A_5 = arith.constant 0 : index
    %get3A_6 = vector.load %arg1[%get3A_4, %get3A_5] : memref<128x128xi32, #tpu.memory_space<vmem>>, vector<128x128xi32>
    %add3A = arith.addi %mul3A_3, %get3A_6 : vector<128x128xi32>
    %shift_right_arithmetic3A = arith.constant 7 : i32
    %shift_right_arithmetic3A_7 = vector.broadcast %shift_right_arithmetic3A : i32 to vector<128x128xi32>
    %shift_right_arithmetic3A_8 = arith.shrsi %add3A, %shift_right_arithmetic3A_7 : vector<128x128xi32>
    %shift_left3A = arith.constant 10 : i32
    %shift_left3A_9 = vector.broadcast %shift_left3A : i32 to vector<128x128xi32>
    %shift_left3A_10 = arith.shli %shift_right_arithmetic3A_8, %shift_left3A_9 : vector<128x128xi32>
    %and3A = arith.constant 127 : i32
    %and3A_11 = vector.broadcast %and3A : i32 to vector<128x128xi32>
    %and3A_12 = arith.andi %add3A, %and3A_11 : vector<128x128xi32>
    %add3A_13 = arith.addi %shift_left3A_10, %and3A_12 : vector<128x128xi32>
    %swap3A = arith.constant 0 : index
    %swap3A_14 = arith.constant 0 : index
    %swap3A_15 = vector.load %arg2[%swap3A, %swap3A_14] : memref<128x128xi32, #tpu.memory_space<vmem>>, vector<128x128xi32>
    tpu.vector_store %arg2[%swap3A, %swap3A_14], %add3A_13 {strides = array<i32>} : memref<128x128xi32, #tpu.memory_space<vmem>>, vector<128x128xi32>,
    return
  }
}

</mosaic_0001>

<sc_bundles>
// kernel: kernel.4.cloned.1.call-start
scs
__scs_entry_jumppad:
0x0: {  	(pc) =	sbr.rel $0x88, $3  }
0x1: {  	(tag) =	ssettag $0x0;
	lr =	simm.s32 $0x1  }
0x2: {  	[smem:$0x3F9E] =	sst lr;
	_ =	strace $0xD0000000  }
0x3: {  	_ = 	snop  }
0x4: {  	_ = 	snop  }
0x5: {  	_ = 	snop  }
0x6: {  	_ = 	snop  }
0x7: {  	_ = 	snop  }
__scs_overlays_trampoline_lowered:
0x8: {  	[smem:$0x3FAD] =	sst s0  }
0x9: {  	[smem:$0x3FAE] =	sst s1  }
0xa: {  	[smem:$0x3FAF] =	sst s2  }
0xb: {  	[smem:$0x3FB0] =	sst s3  }
0xc: {  	[smem:$0x3FB1] =	sst s4  }
0xd: {  	[smem:$0x3FB2] =	sst s5  }
0xe: {  	[smem:$0x3FB3] =	sst s6  }
0xf: {  	[smem:$0x3FB4] =	sst s7  }
0x10: {  	[smem:$0x3FB5] =	sst s8  }
0x11: {  	[smem:$0x3FB6] =	sst s9;
	s0 =	simm.s32 @!p0 $0x0  }
0x12: {  	s1 =	sld [smem:$0x3F9C];
	s0 =	simm.s32 @p0 $0x1  }
0x13: {  	[smem:$0x3FB7] =	sst s0;
	s0 =	simm.s32 @!p1 $0x0  }
0x14: {  	s2 =	sld [smem:$0x3F9B];
	s0 =	simm.s32 @p1 $0x1  }
0x15: {  	[smem:$0x3FB8] =	sst s0;
	s0 =	simm.s32 @!p2 $0x0  }
0x16: {  	s3 =	sld [smem:$0x3FDB];
	s0 =	simm.s32 @p2 $0x1  }
0x17: {  	s4 =	simm.s32 $0x1BF5;
	[smem:$0x3FBA] =	sst s0  }
0x18: {  	s0 =	sld [smem:$0x3F9D];
	_ =	swait.ge [sflag:s4], $0x0  }
0x19: {  	s7 =	sld [smem:$0x3F9E]  }
0x1a: {  	s8 =	sadd.s32 $0xFFFFE003, lr  }
0x1b: {  	s9 =	sadd.s32 $0xFFFFFEF7, lr;
	s5 =	simm.s32 $0xFFFFFFFF;
	p2 =	slt.u32 s8, $0xFFFFF086  }
0x1c: {  	p1 =	slt.u32 s9, $0xF7A;
	s5 =	simm.s32 @!p2 $0x0  }
0x1d: {  	s5 =	simm.s32 @p1 $0x1;
	p0 =	seq.s32 s7, s2  }
0x1e: {  	s7 =	smul.u32 @!p0 $0xF7A, s2;
	p2 =	seq.s32 @!p0 s5, $0x0  }
0x1f: {  	s9 =	smul.u32 $0xF7A, s1;
	s8 =	simm.s32 @!p0 $0x1BF5;
	p2 =	por !p2, p0  }
0x20: {  	[sflag:s8] =	ssyncset.s32 @!p0 $0xFFFFF086;
	s6 =	sadd.s32 @!p0 s3, s7;
	s7 =	simm.s32 @!p0 $0x108  }
0x21: {  	s3 =	sadd.s32 s3, s9;
	s6 =	sadd.s32 @!p0 $0x88, s6;
	s7 =	simm.s32 @p2 $0x1082  }
0x22: {  	[simem:s7], [sflag:s8] =	dma.local @!p0 [hbm:s6], $0xF7A  }
0x23: {  	s9 =	sor.u32 $0xD0000000, s2;
	s6 =	simm.s32 $0x108;
	_ =	swait.ge @!p0 [sflag:s8], $0x0  }
0x24: {  	s3 =	sadd.s32 $0x88, s3;
	s6 =	simm.s32 @!p1 $0x1082;
	[sflag:s4] =	ssyncset.s32 $0xFFFFF086  }
0x25: {  	[simem:s6], [sflag:s4] =	dma.local [hbm:s3], $0xF7A  }
0x26: {  	[smem:$0x3F9E] =	sst s1;
	(tag) =	ssettag s2;
	_ =	strace s9  }
0x27: {  	s1 =	sld [smem:$0x3FAE]  }
0x28: {  	s2 =	sld [smem:$0x3FAF]  }
0x29: {  	s4 =	sld [smem:$0x3FB1]  }
0x2a: {  	p0 =	seq.s32 s5, $0x0;
	s5 =	sld [smem:$0x3FB2]  }
0x2b: {  	s6 =	sld [smem:$0x3FB3]  }
0x2c: {  	s7 =	sld [smem:$0x3FB4]  }
0x2d: {  	s3 =	simm.s32 $0x108;
	s8 =	sld [smem:$0x3FB5]  }
0x2e: {  	s3 =	simm.s32 @!p0 $0x1082;
	s9 =	sld [smem:$0x3FB6]  }
0x2f: {  	lr =	sadd.s32 s0, s3;
	s0 =	sld [smem:$0x3FAD]  }
0x30: {  	s3 =	sld [smem:$0x3FB0]  }
0x31: {  	[smem:$0x3FB9] =	sst s10  }
0x32: {  	s10 =	sld [smem:$0x3FB7];
	_ =	sdelay $0x3  }
0x33: {  	p0 =	seq.s32 s10, $0x1;
	s10 =	sld [smem:$0x3FB9];
	_ =	sdelay $0x3  }
0x34: {  	[smem:$0x3FB9] =	sst s10  }
0x35: {  	s10 =	sld [smem:$0x3FB8];
	_ =	sdelay $0x3  }
0x36: {  	p1 =	seq.s32 s10, $0x1;
	s10 =	sld [smem:$0x3FB9];
	_ =	sdelay $0x3  }
0x37: {  	[smem:$0x3FB9] =	sst s10  }
0x38: {  	s10 =	sld [smem:$0x3FBA]  }
0x39: {  	_ = 	snop;
	(pc) =	sbr.ind lr, $3  }
0x3a: {  	_ = 	snop  }
0x3b: {  	_ = 	snop  }
0x3c: {  	p2 =	seq.s32 s10, $0x1;
	s10 =	sld [smem:$0x3FB9]  }
0x3d: {  	_ =	shalt  }
0x3e: {  	_ =	shalt  }
0x3f: {  	_ =	shalt  }
0x40: {  	_ =	shalt  }
0x41: {  	_ =	shalt  }
0x42: {  	_ =	shalt  }
0x43: {  	_ =	shalt  }
0x44: {  	_ =	shalt  }
0x45: {  	_ =	shalt  }
0x46: {  	_ =	shalt  }
0x47: {  	_ =	shalt  }
0x48: {  	_ =	shalt  }
0x49: {  	_ =	shalt  }
0x4a: {  	_ =	shalt  }
0x4b: {  	_ =	shalt  }
0x4c: {  	_ =	shalt  }
0x4d: {  	_ =	shalt  }
0x4e: {  	_ =	shalt  }
0x4f: {  	_ =	shalt  }
0x50: {  	_ =	shalt  }
0x51: {  	_ =	shalt  }
0x52: {  	_ =	shalt  }
0x53: {  	_ =	shalt  }
0x54: {  	_ =	shalt  }
0x55: {  	_ =	shalt  }
0x56: {  	_ =	shalt  }
0x57: {  	_ =	shalt  }
0x58: {  	_ =	shalt  }
0x59: {  	_ =	shalt  }
0x5a: {  	_ =	shalt  }
0x5b: {  	_ =	shalt  }
0x5c: {  	_ =	shalt  }
0x5d: {  	_ =	shalt  }
0x5e: {  	_ =	shalt  }
0x5f: {  	_ =	shalt  }
0x60: {  	_ =	shalt  }
0x61: {  	_ =	shalt  }
0x62: {  	_ =	shalt  }
0x63: {  	_ =	shalt  }
0x64: {  	_ =	shalt  }
0x65: {  	_ =	shalt  }
0x66: {  	_ =	shalt  }
0x67: {  	_ =	shalt  }
0x68: {  	_ =	shalt  }
0x69: {  	_ =	shalt  }
0x6a: {  	_ =	shalt  }
0x6b: {  	_ =	shalt  }
0x6c: {  	_ =	shalt  }
0x6d: {  	_ =	shalt  }
0x6e: {  	_ =	shalt  }
0x6f: {  	_ =	shalt  }
0x70: {  	_ =	shalt  }
0x71: {  	_ =	shalt  }
0x72: {  	_ =	shalt  }
0x73: {  	_ =	shalt  }
0x74: {  	_ =	shalt  }
0x75: {  	_ =	shalt  }
0x76: {  	_ =	shalt  }
0x77: {  	_ =	shalt  }
0x78: {  	_ =	shalt  }
0x79: {  	_ =	shalt  }
0x7a: {  	_ =	shalt  }
0x7b: {  	_ =	shalt  }
0x7c: {  	_ =	shalt  }
0x7d: {  	_ =	shalt  }
0x7e: {  	_ =	shalt  }
0x7f: {  	_ =	shalt  }
0x80: {  	_ =	shalt  }
0x81: {  	_ =	shalt  }
0x82: {  	_ =	shalt  }
0x83: {  	_ =	shalt  }
0x84: {  	_ =	shalt  }
0x85: {  	_ =	shalt  }
0x86: {  	_ =	shalt  }
0x87: {  	_ =	shalt  }
.Lfunc_end0:
.L_simem_size_0:
called_computation_lowered:
.L_overlay_start_0:
0x88: {  	s2 =	sld [smem:$0x3FD9]  }
0x89: {  	s3 =	sld [smem:$0x3FFE];
	_ =	sdelay $0x1  }
0x8a: {  	s1 =	srdreg.scid  }
0x8b: {  	s0 =	sand.u32 $0x1, s1  }
0x8c: {  	s17 =	sshll.u32 s0, $0xA;
	s2 =	sadd.s32 s3, s2  }
0x8d: {  	s2 =	sadd.s32 s2, s17  }
0x8e: {  	[smem:$0x3FC5] =	sst s2  }
0x8f: {  	_ = 	snop  }
0x90: {  	s2 =	sld [smem:$0x3FC7]  }
0x91: {  	s18 =	sld [smem:$0x3FD0];
	(tm) =	ssettm $0x1  }
0x92: {  	s4 =	sld [smem:$0x3FFB];
	_ =	sdelay $0x3  }
0x93: {  	_ =	strace s4  }
0x94: {  	s4 =	sld [smem:$0x3FFC];
	_ =	sdelay $0x3  }
0x95: {  	_ =	strace s4  }
0x96: {  	s4 =	sld [smem:$0x3FFD];
	_ =	sdelay $0x3  }
0x97: {  	_ =	strace s4  }
0x98: {  	_ =	strace $0x8FFFFFFF  }
0x99: {  	s19 =	sld [smem:$0x3FDB];
	_ =	sdelay $0x1  }
0x9a: {  	s5 =	simm.s32 $_scs_section_size  }
0x9b: {  	s6 =	simm.s32 $_size__tile_overlayer_lowered;
	s7 =	simm.s32 $_tile_overlayer_lowered  }
0x9c: {  	s22 =	simm.s32 $0x1BFF;
	s21 =	sshll.u32 s7, $0x1;
	s4 =	sadd.s32 s5, s19  }
0x9d: {  	s8 =	simm.s32 $0x0;
	s20 =	sshll.u32 s6, $0x1;
	s6 =	sadd.s32 s21, s4  }
0x9e: {  	[timem:s8], [sflag:s22] =	dma.local [hbm:s6], s20  }
0x9f: {  	_ =	swait.ge [sflag:s22], s20  }
0xa0: {  	s5 =	ssub.s32 $0x0, s20;
	[sflag:s22] =	ssyncset.done $0x0  }
0xa1: {  	[sflag:s22] =	ssyncadd.s32 s5;
	_ =	sdelay $0x1  }
0xa2: {  	s23 =	simm.s32 $0x1B8B  }
0xa3: {  	_ =	swait.ge [sflag:s23], $0x1  }
0xa4: {  	[sflag:s23] =	ssyncset.done $0x0  }
0xa5: {  	s25 =	simm.s32 $0x1B8E;
	s24 =	sld [smem:$0x3FFE];
	[sflag:s23] =	ssyncadd.s32 $0xFFFFFFFF  }
0xa6: {  	s26 =	simm.s32 $execute0_lowered;
	[smem:$0x3FD2] =	sst s25  }
0xa7: {  	s6 =	sshll.u32 s26, $0x1;
	_ =	strace $0x80000046;
	[dreg:$0x1] =	wrdreg $0xFFFFFFFF  }
0xa8: {  	s28 =	simm.s32 $_size_execute0_lowered;
	s4 =	sadd.s32 s4, s6;
	[dreg:$0x0] =	wrdreg $0x0  }
0xa9: {  	s6 =	sshll.u32 s28, $0x1;
	[dreg:$0x2] =	wrdreg s4  }
0xaa: {  	[dreg:$0x3] =	wrdreg s6  }
0xab: {  	[dreg:$0x4] =	wrdreg $0xC0  }
0xac: {  	_ =	task [dreg:s8], $0x5FFFF  }
0xad: {  	[dreg:$0x1] =	wrdreg $0xFFFFFFFF  }
0xae: {  	[dreg:$0x0] =	wrdreg $0x60  }
0xaf: {  	[dreg:$0x2] =	wrdreg s24  }
0xb0: {  	[dreg:$0x3] =	wrdreg s2  }
0xb1: {  	[dreg:$0x4] =	wrdreg s18  }
0xb2: {  	[dreg:$0x5] =	wrdreg $0x9  }
0xb3: {  	_ =	task.clear_ibuf [dreg:s8], $0x6FFFF;
	_ =	strace $0x90000046  }
0xb4: {  	s29 =	simm.s32 $0x9;
	_ =	strace $0x80000048  }
0xb5: {  	_ =	swait.ge [sflag:s29], $0x1  }
0xb6: {  	[sflag:s29] =	ssyncadd.s32 $0xFFFFFFFF  }
0xb7: {  	_ =	strace $0x90000048  }
0xb8: {  	_ =	sfence  }
0xb9: {  	s30 =	sld [smem:$0x0];
	_ =	sdelay $0x2  }
0xba: {  	s31 =	sshll.u32 s1, $0xD;
	s1 =	sshrl.u32 s1, $0x2  }
0xbb: {  	s3 =	sand.u32 $0x4000, s31;
	s1 =	sadd.s32 s1, s30  }
0xbc: {  	s0 =	sor.u32 s3, s0;
	s1 =	sshll.u32 s1, $0x11  }
0xbd: {  	s0 =	sor.u32 s1, s0  }
0xbe: {  	s0 =	sadd.s32 $0x8F2B, s0  }
0xbf: {  	[sflag:s0] =	ssyncadd.remote.s32 $0x1  }
0xc0: {  	_ =	sfence.sel $0xFFFF  }
0xc1: {  	[dreg:$0x0] =	wrdreg $0xFFFFFFFF;
	(pc) =	sbr.abs _section_cstart, $3  }
0xc2: {  	[dreg:$0x1] =	wrdreg $0xFFFFFFFF  }
0xc3: {  	_ =	task.clear_ibuf [dreg:s8], $0x2FFFF;
	_ =	strace $0x9FFFFFFF  }
0xc4: {  	(tm) =	ssettm $0x7FFFFFFF  }
0xc5: {  	_ =	shalt  }
tec
execute0_lowered:
.L_overlay_start_1:
0x0: {  	(tag) =	ssettag $0x1  }
0x1: {  	s4 =	rddreg [dreg:$0x0]  }
0x2: {  	s5 =	rddreg [dreg:$0x1]  }
0x3: {  	s6 =	rddreg [dreg:$0x2]  }
0x4: {  	s0 =	rddreg [dreg:$0x3];
	s1 =	simm.s32 $0x0;
	s2 =	srdreg.scid  }
0x5: {  	s13 =	simm.s32 $0x400;
	s14 =	simm.s32 $0x4000;
	s15 =	simm.s32 $0x4  }
0x6: {  	s16 =	simm.s32 $0x0;
	[smem:$0x7FF] =	sst s1;
	s7 =	sand.u32 $0x1, s2  }
0x7: {  	s3 =	sadd.s32 $0xA00, s4;
	s2 =	stileid.u32;
	s4 =	sadd.s32 $0xE00, s4  }
0x8: {  	_ =	strace $0x80000047;
	s8 =	ssub.s32 $0x2, s7;
	s9 =	sshrl.u32 s2, $0x2  }
0x9: {  	s10 =	sshll.u32 s2, $0x8;
	s7 =	sshll.u32 s7, $0x7;
	s11 =	smul.u32 $0x61A800, s9  }
0xa: {  	s7 =	sor.u32 s7, s10;
	s30 =	sshll.u32 s9, $0xA;
	s12 =	sshrl.u32 s8, $0x1  }
0xb: {  	s9 =	sshll.u32 s9, $0x11;
	s7 =	ssub.s32 s7, s30;
	s8 =	ssub.s32 s8, s12  }
0xc: {  	s12 =	simm.s32 $0x1;
	s10 =	sadd.s32 s11, s7;
	s7 =	sadd.s32 s9, s7  }
0xd: {  	s9 =	simm.s32 $0x2;
	s11 =	simm.s32 $0x3;
	s31 =	sshrl.u32 s10, $0x3  }
0xe: {  	s7 =	sshrl.u32 s7, $0x3;
	s10 =	simm.s32 $0x80;
	s5 =	sadd.s32 s5, s31  }
0xf: {  	s6 =	sadd.s32 s6, s7;
	s7 =	smax.u32 s8, $0x1;
	s8 =	simm.s32 $0x2000  }
.LBB2_1:
0x10: {  	[tilespmem:s1], [sflag:$0x2] =	stream.linear.gather [hbm4b:s3+s1], $0x2000, $0x38;
	[tilespmem:$0x8000] =	vst v63  }
0x11: {  	_ = 	snop  }
0x12: {  	[tilespmem:s8], [sflag:$0x3] =	stream.linear.gather [hbm4b:s4+s1], $0x2000, $0x38;
	[tilespmem:$0x8000] =	vst v63  }
0x13: {  	_ =	swait.ge [sflag:s9], $0x2000  }
0x14: {  	s17 =	simm.s32 $0x200;
	[sflag:s9] =	ssyncset.done $0x0  }
0x15: {  	s18 =	simm.s32 $0x0;
	s19 =	simm.s32 $0x4000;
	[sflag:s9] =	ssyncadd.s32 $0xFFFFE000  }
.LBB2_2:
0x16: {  	[tilespmem:s19], [sflag:$0x1] =	stream.indirect.gather [hbm4b:s5+s10], $0x1, s18, s10, $0xb8;
	[tilespmem:$0x8000] =	vst v63  }
0x17: {  	s18 =	smov.u32 s17;
	p0 =	sne.s32 s17, $0x7E00  }
.Ltmp0:
0x18: {  	s17 =	sadd.s32 $0x200, s17;
	(pc) =	sbr.rel @p0 .LBB2_2-.Ltmp0, $3  }
0x19: {  	_ =	sdelay $0x1  }
0x1a: {  	s18 =	sshra.s32 s18, $0x2  }
0x1b: {  	s19 =	sadd.s32 $0x4000, s18  }
0x1c: {  	[tilespmem:s19], [sflag:$0x1] =	stream.indirect.gather [hbm4b:s5+s10], $0x1, s18, s10, $0xb8;
	[tilespmem:$0x8000] =	vst v63  }
0x1d: {  	_ =	swait.ge [sflag:s11], $0x2000  }
0x1e: {  	s17 =	simm.s32 $0x200;
	s19 =	simm.s32 $0x2000;
	[sflag:s11] =	ssyncset.done $0x0  }
0x1f: {  	s20 =	simm.s32 $0x6000;
	s18 =	simm.s32 $0x80;
	[sflag:s11] =	ssyncadd.s32 $0xFFFFE000  }
.LBB2_4:
0x20: {  	[tilespmem:s20], [sflag:$0x1] =	stream.indirect.gather [hbm4b:s5+s18], $0x1, s19, s18, $0xb8;
	[tilespmem:$0x8000] =	vst v63  }
0x21: {  	s19 =	smov.u32 s17;
	p0 =	sne.s32 s17, $0x7E00  }
.Ltmp1:
0x22: {  	s17 =	sadd.s32 $0x200, s17;
	(pc) =	sbr.rel @p0 .LBB2_4-.Ltmp1, $3  }
0x23: {  	_ =	sdelay $0x1  }
0x24: {  	s20 =	sshra.s32 s19, $0x2  }
0x25: {  	s19 =	sadd.s32 $0x2000, s20;
	s20 =	sadd.s32 $0x6000, s20  }
0x26: {  	[tilespmem:s20], [sflag:$0x1] =	stream.indirect.gather [hbm4b:s5+s18], $0x1, s19, s18, $0xb8;
	[tilespmem:$0x8000] =	vst v63  }
0x27: {  	_ =	swait.ge [sflag:s12], $0x80  }
0x28: {  	s17 =	simm.s32 $0x7F;
	[sflag:s12] =	ssyncset.done $0x0  }
.LBB2_6:
0x29: {  	p0 =	sne.s32 s17, $0x1;
	s17 =	sadd.s32 $0xFFFFFFFF, s17;
	[sflag:s12] =	ssyncadd.s32 $0xFFFFFF80  }
.Ltmp2:
0x2a: {  	(pc) =	sbr.rel @p0 .LBB2_6-.Ltmp2, $3  }
0x2b: {  	_ =	sdelay $0x1  }
0x2c: {  	_ =	swait.ge [sflag:s12], $0x80  }
0x2d: {  	[sflag:s12] =	ssyncset.done $0x0  }
0x2e: {  	s16 =	sadd.s32 $0x1, s16  }
0x2f: {  	p0 =	sne.s32 s16, s7  }
.Ltmp3:
0x30: {  	[sflag:s12] =	ssyncadd.s32 $0xFFFFFF80;
	(pc) =	sbr.rel @p0 .LBB2_1-.Ltmp3, $4  }
0x31: {  	[hbm4b:s6+s10] =	stream.strided.scatter [tilespmem:s14], [sflag:$0x4], $0x4000, s13, s10, $0x38;
	[tilespmem:$0x8000] =	vst v63  }
0x32: {  	_ =	swait.ge [sflag:s15], $0x4000  }
0x33: {  	[sflag:s15] =	ssyncset.done $0x0  }
0x34: {  	[sflag:s15] =	ssyncadd.s32 $0xFFFFC000  }
0x35: {  	_ =	sfence.sel $0x180000  }
0x36: {  	[bflag:$0x0] =	sbarrier.arrive $0xFFFF  }
0x37: {  	p0 =	sne.s32 s2, $0x0;
	_ =	strace $0x90000047  }
0x38: {  	s0 =	sadd.s32 @!p0 $0x100000, s0;
	[bflag:$0x2] =	sbarrier.arrive $0xFFFF  }
0x39: {  	[sflag:s0] =	ssyncadd.tile.s32 @!p0 $0x1;
	_ =	shalt  }
.Lfunc_end2:
_tile_overlayer_lowered:
.L_overlay_start_2:
0x3a: {  	(tag) =	ssettag $0x2  }
0x3b: {  	s0 =	rddreg [dreg:$0x0];
	s2 =	stileid.u32  }
0x3c: {  	s1 =	rddreg [dreg:$0x1];
	p0 =	sne.s32 s2, $0x0  }
0x3d: {  	s3 =	rddreg [dreg:$0x2];
	[bflag:$0x3] =	sbarrier.arrive $0xFFFF;
	s2 =	simm.s32 @!p0 $0x1C04  }
0x3e: {  	[timem:s3], [sflag:s2] =	dma.local @!p0 [hbm:s0], s1  }
0x3f: {  	s0 =	simm.s32 @!p0 $0x4  }
0x40: {  	_ =	swait.ge @!p0 [sflag:s0], s1  }
0x41: {  	s1 =	ssub.s32 @!p0 $0x0, s1;
	[sflag:s0] =	ssyncset.done @!p0 $0x0  }
0x42: {  	[sflag:s0] =	ssyncadd.s32 @!p0 s1  }
0x43: {  	[bflag:$0x3] =	sbarrier.arrive $0xFFFF  }
0x44: {  	_ =	shalt  }

</sc_bundles>
